<compile_context>
chip_gen: v7x
topology: tpu7x:2x2x1
jax: 0.10.2.dev20260603
libtpu: 0.0.44.dev20260713+nightly
codegen_flags: <defaults>
</compile_context>

<pallas_src>
import functools

import jax
import jax.numpy as jnp
import numpy as np
from jax import lax
from jax.experimental import pallas as pl
from jax.experimental.pallas import tpu as pltpu
from jax.experimental.pallas import tpu_sc as plsc

_PC, _AUG, _NOISE, _OUTC = 3, 21, 3, 6
_IDIM = _PC + _AUG
_C1 = _IDIM - _IDIM // 2
_C2 = _IDIM // 2
_NFLOW = 12
_PRE_KS = [8, 16, 24]
_HDIM = 64
_OUTLIER_PCT = 0.25
_R = 256
_LOG2PI = float(np.log(2.0 * np.pi))
_BIG = 3.0e38
_TW = 128


def _rev_lanes(x, n):
    return jnp.concatenate([x[:, i:i + 1] for i in reversed(range(n))],
                           axis=1)


def _atan(x):
    sign = jnp.sign(x)
    ax = jnp.abs(x)
    big = ax > 2.414213562373095
    med = ax > 0.4142135623730950
    t = jnp.where(big, -1.0 / jnp.maximum(ax, 1e-30),
                  jnp.where(med, (ax - 1.0) / (ax + 1.0), ax))
    y0 = jnp.where(big, jnp.float32(np.pi / 2),
                   jnp.where(med, jnp.float32(np.pi / 4), jnp.float32(0.0)))
    z = t * t
    p = ((8.05374449538e-2 * z - 1.38776856032e-1) * z
         + 1.99777106478e-1) * z - 3.33329491539e-1
    return sign * (y0 + (p * z * t + t))


def _soft_clamp(s, c=1.9):
    return c * (2.0 / np.pi) * _atan(s / c)


def _relu(x):
    return jnp.maximum(x, 0.0)


def _lrelu(x):
    return jnp.where(x >= 0, x, 0.01 * x)


def _sigmoid(x):
    return 1.0 / (1.0 + jnp.exp(-x))



def _aug_body(xyz_ref, eps_ref, *refs):
    out_ref, acc_ref = refs[-2], refs[-1]
    sW1, sb1, sW2, sb2 = refs[0], refs[1], refs[2], refs[3]
    steps = [refs[4 + 6 * j:4 + 6 * (j + 1)] for j in range(3)]
    r = pl.program_id(1)
    xyz = xyz_ref[0]
    eps = eps_ref[0]
    h = _relu(jnp.dot(xyz, sW1[...]) + sb1[...])
    feat = _relu(jnp.dot(h, sW2[...]) + sb2[...])
    y = eps
    ldj = jnp.float32(0.0)
    c1a = _AUG - _AUG // 2
    na = _AUG // 2
    for j, (Wa_, ba_, Wb_, bb_, Wc_, bc_) in enumerate(steps):
        rev = (j == 1)
        if rev:
            y = _rev_lanes(y, _AUG)
        y1 = y[:, :c1a]
        y2 = y[:, c1a:]
        hh = _relu(jnp.dot(jnp.concatenate([y1, feat], axis=1), Wa_[...])
                   + ba_[...])
        hh = _relu(jnp.dot(hh, Wb_[...]) + bb_[...])
        o = jnp.dot(hh, Wc_[...]) + bc_[...]
        s = _soft_clamp(o[:, :na])
        t = o[:, na:]
        y2 = y2 * jnp.exp(s) + t
        ldj = ldj + jnp.sum(s)
        y = jnp.concatenate([y1, y2], axis=1)
        if rev:
            y = _rev_lanes(y, _AUG)
    out_ref[0, :, 0:_PC] = xyz
    out_ref[0, :, _PC:_IDIM] = y
    logp_part = -0.5 * jnp.sum(eps * eps) - 0.5 * (_R * _AUG) * _LOG2PI

    @pl.when(r == 0)
    def _():
        acc_ref[...] = jnp.zeros((1, 1, 1), jnp.float32)
    acc_ref[...] += logp_part - ldj


def _sq_body(f_ref, sq_ref):
    f = f_ref[0]
    sq_ref[0] = jnp.sum(f * f, axis=1, keepdims=True)


def _knn_body(K, N, f_ref, ft_ref, sqc_ref, sqr_ref, idx_ref):
    b = pl.program_id(0)
    fb = f_ref[0]
    ft = ft_ref[0]
    sq_b = sqc_ref[0]
    sq_r = sqr_ref[0]
    d2 = sq_b + sq_r - 2.0 * jnp.dot(fb, ft,
                                     preferred_element_type=jnp.float32)
    lane = lax.broadcasted_iota(jnp.int32, (1, N), 1)
    col = lax.broadcasted_iota(jnp.int32, (1, 32), 1)
    acc = jnp.zeros((fb.shape[0], 32), jnp.int32)
    bn = b * N
    for t in range(K):
        m = jnp.min(d2, axis=1, keepdims=True)
        am = jnp.min(jnp.where(d2 == m, lane, N), axis=1, keepdims=True)
        acc = jnp.where(col == t, am + bn, acc)
        d2 = jnp.where(lane == am, _BIG, d2)
    idx_ref[0] = acc[:, :K]


def _c1fwd_body(x_ref, ab_ref, el_ref, W1_ref, b1_ref, W2_ref, b2_ref,
                W3_ref, b3_ref, out_ref, tab_ref, acc_ref):
    r = pl.program_id(1)
    x = x_ref[0]
    xr = _rev_lanes(x, _IDIM)
    xa = (xr + ab_ref[...]) * el_ref[...]
    x1 = xa[:, :_C1]
    x2 = xa[:, _C1:]
    h = _relu(jnp.dot(x1, W1_ref[...]) + b1_ref[...])
    h = _relu(jnp.dot(h, W2_ref[...]) + b2_ref[...])
    o = jnp.dot(h, W3_ref[...]) + b3_ref[...]
    s = _soft_clamp(o[:, :_C2])
    t = o[:, _C2:]
    y2 = x2 * jnp.exp(s) + t
    xc = _rev_lanes(jnp.concatenate([x1, y2], axis=1), _IDIM)
    out_ref[0] = xc
    tab_ref[0, :, :_C1] = xc[:, :_C1]
    tab_ref[0, :, _C1:] = jnp.zeros((x.shape[0], _TW - _C1), jnp.float32)

    @pl.when(r == 0)
    def _():
        acc_ref[...] = jnp.zeros((1, 1, 1), jnp.float32)
    acc_ref[...] += jnp.sum(s)


def _knn_unit(u1, nb, K, W1_ref, b1_ref, W2_ref, b2_ref, W3_ref, b3_ref):
    R = u1.shape[0]
    ctr = jnp.broadcast_to(u1[:, None, :], (R, K, _C1)).reshape(R * K, _C1)
    e = jnp.concatenate([ctr, nb[:, :_C1] - ctr], axis=1)
    h = _relu(jnp.dot(e, W1_ref[...]) + b1_ref[...])
    h = _relu(jnp.dot(h, W2_ref[...]) + b2_ref[...])
    hm = jnp.max(h.reshape(R, K, _HDIM), axis=1)
    o = jnp.dot(hm, W3_ref[...]) + b3_ref[...]
    return _soft_clamp(o[:, :_C2]), o[:, _C2:]


def _c2fwd_body(K, x_ref, nb_ref, W1_ref, b1_ref, W2_ref, b2_ref,
                W3_ref, b3_ref, out_ref, acc_ref):
    r = pl.program_id(1)
    xm = x_ref[0]
    u1 = xm[:, :_C1]
    u2 = xm[:, _C1:]
    nb = nb_ref[0, 0]
    s2, t2 = _knn_unit(u1, nb, K, W1_ref, b1_ref, W2_ref, b2_ref,
                       W3_ref, b3_ref)
    out_ref[0, :, :_C1] = u1
    out_ref[0, :, _C1:] = u2 * jnp.exp(s2) + t2

    @pl.when(r == 0)
    def _():
        acc_ref[...] = jnp.zeros((1, 1, 1), jnp.float32)
    acc_ref[...] += jnp.sum(s2)


def _inv_body(K, z_ref, nb_ref,
              W1_ref, b1_ref, W2_ref, b2_ref, W3_ref, b3_ref,
              cW1_ref, cb1_ref, cW2_ref, cb2_ref, cW3_ref, cb3_ref,
              ab_ref, eln_ref, out_ref, tab_ref):
    z = z_ref[0]
    y1 = z[:, :_C1]
    y2 = z[:, _C1:]
    nb = nb_ref[0, 0]
    s2, t2 = _knn_unit(y1, nb, K, W1_ref, b1_ref, W2_ref, b2_ref,
                       W3_ref, b3_ref)
    x2 = (y2 - t2) * jnp.exp(-s2)
    w1 = _rev_lanes(x2, _C1)
    w2 = _rev_lanes(y1, _C1)
    h = _relu(jnp.dot(w1, cW1_ref[...]) + cb1_ref[...])
    h = _relu(jnp.dot(h, cW2_ref[...]) + cb2_ref[...])
    o = jnp.dot(h, cW3_ref[...]) + cb3_ref[...]
    s = _soft_clamp(o[:, :_C2])
    t = o[:, _C2:]
    v2 = (w2 - t) * jnp.exp(-s)
    zd = jnp.concatenate([w1, v2], axis=1) * eln_ref[...] - ab_ref[...]
    zo = _rev_lanes(zd, _IDIM)
    out_ref[0] = zo
    tab_ref[0, :, :_C1] = zo[:, :_C1]
    tab_ref[0, :, _C1:] = jnp.zeros((z.shape[0], _TW - _C1), jnp.float32)


def _probs_body(x_ref, xyz_ref, L1_ref, l1_ref, L2_ref, l2_ref,
                L3_ref, l3_ref, Wp_ref, bp_ref, wpn_ref, pr_ref, tab_ref):
    x = x_ref[0]
    xyz = xyz_ref[0]
    xx = jnp.concatenate([x, xyz], axis=1)
    h = _lrelu(jnp.dot(xx, L1_ref[...]) + l1_ref[...])
    h = _lrelu(jnp.dot(h, L2_ref[...]) + l2_ref[...])
    h = _relu(jnp.dot(h, L3_ref[...]) + l3_ref[...])
    pr = (jnp.dot(h, Wp_ref[...]) + bp_ref[...]) / wpn_ref[...]
    pr_ref[0] = pr
    tab_ref[0, :, :_IDIM] = x
    tab_ref[0, :, _IDIM:_IDIM + _PC] = xyz
    tab_ref[0, :, _IDIM + _PC:_IDIM + _PC + 1] = pr
    tab_ref[0, :, _IDIM + _PC + 1:] = jnp.zeros((x.shape[0], _TW - _IDIM - _PC - 1),
                                                 jnp.float32)


def _rank_body(N, pcol_ref, prow_ref, rank_ref, pidx_ref):
    b = pl.program_id(0)
    prow = prow_ref[0]
    lane = lax.broadcasted_iota(jnp.int32, (1, N), 1)
    lane_f = lane.astype(jnp.float32)
    pidx_acc = jnp.zeros((1, N), jnp.float32)
    nc = N // 128
    for ci in range(nc):
        pi = pcol_ref[0, pl.ds(ci * 128, 128), :]
        gi = lax.broadcasted_iota(jnp.int32, (128, 1), 0) + ci * 128
        cmp = (prow > pi) | ((prow == pi) & (lane < gi))
        rk = jnp.sum(cmp.astype(jnp.float32), axis=1, keepdims=True)
        rank_ref[0, pl.ds(ci * 128, 128), :] = rk.astype(jnp.int32)
        onehot = rk == lane_f
        gi_f = gi.astype(jnp.float32)
        pidx_acc += jnp.sum(jnp.where(onehot, gi_f, 0.0), axis=0,
                            keepdims=True)
    pidx_ref[0] = pidx_acc.astype(jnp.int32) + b * N


def _post_body(no, z_ref, rank_ref, out_ref, tab_ref, acc_ref):
    r = pl.program_id(1)
    z = z_ref[0]
    rk = rank_ref[0]
    m = rk < no
    out_ref[0, :, :_IDIM - _OUTC] = z[:, :_IDIM - _OUTC]
    out_ref[0, :, _IDIM - _OUTC:_IDIM - _NOISE] = jnp.where(
        m, 0.0, z[:, _IDIM - _OUTC:_IDIM - _NOISE])
    out_ref[0, :, _IDIM - _NOISE:] = jnp.zeros((z.shape[0], _NOISE),
                                               jnp.float32)
    tab_ref[0, :, :_C1] = z[:, :_C1]
    tab_ref[0, :, _C1:] = jnp.zeros((z.shape[0], _TW - _C1), jnp.float32)
    part = -0.5 * jnp.sum(z * z) - 0.5 * (_R * _IDIM) * _LOG2PI

    @pl.when(r == 0)
    def _():
        acc_ref[...] = jnp.zeros((1, 1, 1), jnp.float32)
    acc_ref[...] += part


def _est_body(r32_ref, D1_ref, d1_ref, D2_ref, d2_ref, D3_ref, d3_ref,
              est_ref):
    r32 = r32_ref[0]
    f = r32[:, :_IDIM]
    xyzr = r32[:, _IDIM:_IDIM + _PC]
    pr = r32[:, _IDIM + _PC:_IDIM + _PC + 1]
    y = _sigmoid(pr)
    px = f * y
    d = _relu(jnp.dot(px, D1_ref[...]) + d1_ref[...])
    d = _relu(jnp.dot(d, D2_ref[...]) + d2_ref[...])
    d = jnp.dot(d, D3_ref[...]) + d3_ref[...]
    est_ref[0] = xyzr + d



def _blk(shape, imap):
    return pl.BlockSpec(shape, imap)


def _w_spec(a):
    return pl.BlockSpec(a.shape, lambda b, r: tuple(0 for _ in a.shape))


def _row_spec(d):
    return _blk((1, _R, d), lambda b, r: (b, r, 0))


def _acc_spec():
    return _blk((1, 1, 1), lambda b, r: (b, 0, 0))



@functools.partial(jax.jit, static_argnums=(2, 3, 4))
def _sc_gather(table, idx3, n_rows, D, chunk):
    nw = 32
    n_chunks = n_rows // (nw * chunk)
    b_per_w = n_chunks * chunk
    mesh = plsc.VectorSubcoreMesh(core_axis_name="c", subcore_axis_name="s")

    @functools.partial(
        pl.kernel,
        out_type=jax.ShapeDtypeStruct((n_rows, _TW), jnp.float32),
        mesh=mesh,
        scratch_types=[
            pltpu.VMEM((n_chunks, chunk), jnp.int32),
            pltpu.VMEM((4, chunk, _TW), jnp.float32),
            pltpu.SemaphoreType.DMA,
        ],
    )
    def gk(tab_hbm, idx_hbm, out_hbm, idx_v, rows_v, sem):
        wid = lax.axis_index("s") * 2 + lax.axis_index("c")
        pltpu.sync_copy(idx_hbm.at[wid], idx_v)
        base = wid * b_per_w
        nbuf = 4
        for c0 in range(min(nbuf - 1, n_chunks)):
            pltpu.async_copy(tab_hbm.at[idx_v.at[c0]], rows_v.at[c0], sem)

        def body(c, carry):
            p = lax.rem(c, nbuf)

            @pl.when(c + nbuf - 1 < n_chunks)
            def _():
                pltpu.async_copy(tab_hbm.at[idx_v.at[c + nbuf - 1]],
                                 rows_v.at[lax.rem(c + nbuf - 1, nbuf)], sem)
            pltpu.make_async_copy(tab_hbm.at[idx_v.at[c]],
                                  rows_v.at[p], sem).wait()
            pltpu.sync_copy(rows_v.at[p],
                            out_hbm.at[pl.ds(base + c * chunk, chunk)])
            return carry

        lax.fori_loop(0, n_chunks, body, 0)

    return gk(table, idx3)


def _gather_rows(table, idx_flat, D, chunk=128):
    n_rows = idx_flat.shape[0]
    idx3 = idx_flat.reshape(32, n_rows // (32 * chunk), chunk)
    return _sc_gather(table, idx3, n_rows, D, chunk)



def _prep_flow(p):
    c1, c2 = p['c1'], p['c2']
    al = p['an_logs'].reshape(1, _IDIM)
    return dict(
        ab=p['an_bias'].reshape(1, _IDIM),
        el=jnp.exp(al), eln=jnp.exp(-al),
        c1=(c1['W1'], c1['b1'].reshape(1, -1), c1['W2'],
            c1['b2'].reshape(1, -1), c1['W3'], c1['b3'].reshape(1, -1)),
        c2=(c2['W1'], c2['b1'].reshape(1, -1), c2['W2'],
            c2['b2'].reshape(1, -1), c2['W3'], c2['b3'].reshape(1, -1)),
        ld0=jnp.sum(p['an_logs']),
    )


def _prep_aug(a):
    steps = []
    for sp in a['steps']:
        steps.append((sp['Wa'], sp['ba'].reshape(1, -1), sp['Wb'],
                      sp['bb'].reshape(1, -1), sp['Wc'],
                      sp['bc'].reshape(1, -1)))
    return ((a['sh_W1'], a['sh_b1'].reshape(1, -1), a['sh_W2'],
             a['sh_b2'].reshape(1, -1)), steps)



def kernel(xyz, params):
    B, N, _ = xyz.shape
    NB = N // _R
    no = int(N * _OUTLIER_PCT)
    f32 = jnp.float32
    flows = [_prep_flow(p) for p in params['flows']]
    shw, steps = _prep_aug(params['aug'])
    aug_flat = list(shw) + [w for st in steps for w in st]
    eps = jax.random.normal(jax.random.PRNGKey(42), (B, N, _AUG), f32)

    x0, aug_acc = pl.pallas_call(
        _aug_body, grid=(B, NB),
        in_specs=[_row_spec(_PC), _row_spec(_AUG)]
                 + [_w_spec(a) for a in aug_flat],
        out_specs=[_row_spec(_IDIM), _acc_spec()],
        out_shape=[jax.ShapeDtypeStruct((B, N, _IDIM), f32),
                   jax.ShapeDtypeStruct((B, 1, 1), f32)],
    )(xyz, eps, *aug_flat)

    def knn(f, K):
        dch = f.shape[-1]
        fT = jnp.swapaxes(f, 1, 2)
        sq = pl.pallas_call(
            _sq_body, grid=(B, NB),
            in_specs=[_row_spec(dch)],
            out_specs=_row_spec(1),
            out_shape=jax.ShapeDtypeStruct((B, N, 1), f32),
        )(f)
        sqr = sq.reshape(B, 1, N)
        return pl.pallas_call(
            functools.partial(_knn_body, K, N), grid=(B, NB),
            in_specs=[_row_spec(dch),
                      _blk((1, dch, N), lambda b, r: (b, 0, 0)),
                      _row_spec(1),
                      _blk((1, 1, N), lambda b, r: (b, 0, 0))],
            out_specs=_blk((1, _R, K), lambda b, r: (b, r, 0)),
            out_shape=jax.ShapeDtypeStruct((B, N, K), jnp.int32),
        )(f, fT, sq, sqr)

    def c1fwd(x, fw):
        ws = [fw['ab'], fw['el'], *fw['c1']]
        return pl.pallas_call(
            _c1fwd_body, grid=(B, NB),
            in_specs=[_row_spec(_IDIM)] + [_w_spec(a) for a in ws],
            out_specs=[_row_spec(_IDIM), _row_spec(_TW), _acc_spec()],
            out_shape=[jax.ShapeDtypeStruct((B, N, _IDIM), f32),
                       jax.ShapeDtypeStruct((B, N, _TW), f32),
                       jax.ShapeDtypeStruct((B, 1, 1), f32)],
        )(x, *ws)

    def c2fwd(xm, nb, fw, K):
        nb4 = nb.reshape(B, NB, _R * K, _TW)
        ws = list(fw['c2'])
        return pl.pallas_call(
            functools.partial(_c2fwd_body, K), grid=(B, NB),
            in_specs=[_row_spec(_IDIM),
                      _blk((1, 1, _R * K, _TW), lambda b, r: (b, r, 0, 0))]
                     + [_w_spec(a) for a in ws],
            out_specs=[_row_spec(_IDIM), _acc_spec()],
            out_shape=[jax.ShapeDtypeStruct((B, N, _IDIM), f32),
                       jax.ShapeDtypeStruct((B, 1, 1), f32)],
        )(xm, nb4, *ws)

    def inv(z, nb, fw, K):
        nb4 = nb.reshape(B, NB, _R * K, _TW)
        ws = list(fw['c2']) + list(fw['c1']) + [fw['ab'], fw['eln']]
        return pl.pallas_call(
            functools.partial(_inv_body, K), grid=(B, NB),
            in_specs=[_row_spec(_IDIM),
                      _blk((1, 1, _R * K, _TW), lambda b, r: (b, r, 0, 0))]
                     + [_w_spec(a) for a in ws],
            out_specs=[_row_spec(_IDIM), _row_spec(_TW)],
            out_shape=[jax.ShapeDtypeStruct((B, N, _IDIM), f32),
                       jax.ShapeDtypeStruct((B, N, _TW), f32)],
        )(z, nb4, *ws)

    x = x0
    idx24 = knn(xyz, _PRE_KS[-1])
    idx_flat = []
    ld_terms = []
    x3 = None
    for i in range(_NFLOW):
        K = _PRE_KS[i] if i < 3 else 16
        idx = idx24[:, :, :K] if i < 3 else knn(x, 16)
        idf = idx.reshape(-1)
        idx_flat.append((idf, K))
        fw = flows[i]
        xm, tab, ld1 = c1fwd(x, fw)
        nb = _gather_rows(tab.reshape(B * N, _TW), idf, _TW)
        x, ld3 = c2fwd(xm, nb, fw, K)
        ld_terms.append(N * fw['ld0'] + ld1[:, 0, 0] + ld3[:, 0, 0])
        if i == 2:
            x3 = x

    op = params['op']
    opw = [op['L1'], op['l1'].reshape(1, -1),
           op['L2'], op['l2'].reshape(1, -1), op['L3'], op['l3'].reshape(1, -1),
           op['Wp'], op['bp'].reshape(1, 1),
           jnp.linalg.norm(op['Wp']).reshape(1, 1)]
    pr_col, tab32 = pl.pallas_call(
        _probs_body, grid=(B, NB),
        in_specs=[_row_spec(_IDIM), _row_spec(_PC)]
                 + [_w_spec(a) for a in opw],
        out_specs=[_row_spec(1), _row_spec(_TW)],
        out_shape=[jax.ShapeDtypeStruct((B, N, 1), f32),
                   jax.ShapeDtypeStruct((B, N, _TW), f32)],
    )(x3, xyz, *opw)
    prow = pr_col.reshape(B, 1, N)
    rank, pidx = pl.pallas_call(
        functools.partial(_rank_body, N), grid=(B,),
        in_specs=[_blk((1, N, 1), lambda b: (b, 0, 0)),
                  _blk((1, 1, N), lambda b: (b, 0, 0))],
        out_specs=[_blk((1, N, 1), lambda b: (b, 0, 0)),
                   _blk((1, 1, N), lambda b: (b, 0, 0))],
        out_shape=[jax.ShapeDtypeStruct((B, N, 1), jnp.int32),
                   jax.ShapeDtypeStruct((B, 1, N), jnp.int32)],
    )(pr_col, prow)
    clean = pidx.reshape(B, N)[:, no:].reshape(-1)
    rows32 = _gather_rows(tab32.reshape(B * N, _TW), clean, _TW, chunk=64)
    rows32 = rows32.reshape(B, N - no, _TW)
    dw = [op['D1'], op['d1'].reshape(1, -1), op['D2'], op['d2'].reshape(1, -1),
          op['D3'], op['d3'].reshape(1, -1)]
    est_xyz = pl.pallas_call(
        _est_body, grid=(B, (N - no) // _R),
        in_specs=[_row_spec(_TW)] + [_w_spec(a) for a in dw],
        out_specs=_row_spec(_PC),
        out_shape=jax.ShapeDtypeStruct((B, N - no, _PC), f32),
    )(rows32, *dw)

    zm, tab, lp_acc = pl.pallas_call(
        functools.partial(_post_body, no), grid=(B, NB),
        in_specs=[_row_spec(_IDIM), _row_spec(1)],
        out_specs=[_row_spec(_IDIM), _row_spec(_TW), _acc_spec()],
        out_shape=[jax.ShapeDtypeStruct((B, N, _IDIM), f32),
                   jax.ShapeDtypeStruct((B, N, _TW), f32),
                   jax.ShapeDtypeStruct((B, 1, 1), f32)],
    )(x, rank)

    z = zm
    for i in reversed(range(_NFLOW)):
        idf, K = idx_flat[i]
        nb = _gather_rows(tab.reshape(B * N, _TW), idf, _TW)
        z, tab = inv(z, nb, flows[i], K)

    log_det = sum(ld_terms)
    ldj = -jnp.mean(lp_acc[:, 0, 0] + log_det - aug_acc[:, 0, 0])
    clean_x = z[..., :_PC]
    return clean_x, ldj, est_xyz

# --- scband reference (transcript-rebuilt; emitter-appended) ---
"""Pipeline reference for scband-ex-denoise-flow-28372553957671 (READ-ONLY COPY).

The authoritative reference and input builder live on the scoring server;
editing this copy changes nothing except your own understanding.
"""

import jax, jax.numpy as jnp
import numpy as np

PC, AUG, NOISE, OUTC = 3, 21, 3, 6
IDIM = PC + AUG
C1 = IDIM - IDIM // 2
C2 = IDIM // 2
NFLOW = 12
PRE_KS = [8, 16, 24]
HDIM = 64
OUTLIER_PCT = 0.25


def _w(rng, *s):
    return jnp.asarray(rng.normal(size=s) * 0.05, jnp.float32)


def _b(*s):
    return jnp.zeros(s, jnp.float32)


def setup_inputs():
    rng = np.random.default_rng(0)
    B, N = 4, 2048
    xyz = jnp.asarray(rng.normal(size=(B, N, PC)), jnp.float32)
    flows = []
    for _ in range(NFLOW):
        flows.append({
            'an_logs': _b(IDIM), 'an_bias': _b(IDIM),
            'c1': {'W1': _w(rng, C1, HDIM), 'b1': _b(HDIM), 'W2': _w(rng, HDIM, HDIM), 'b2': _b(HDIM), 'W3': _w(rng, HDIM, 2 * C2), 'b3': _b(2 * C2)},
            'c2': {'W1': _w(rng, 2 * C1, HDIM), 'b1': _b(HDIM), 'W2': _w(rng, HDIM, HDIM), 'b2': _b(HDIM), 'W3': _w(rng, HDIM, 2 * C2), 'b3': _b(2 * C2)},
        })
    aug = {
        'sh_W1': _w(rng, PC, 32), 'sh_b1': _b(32), 'sh_W2': _w(rng, 32, HDIM), 'sh_b2': _b(HDIM),
        'steps': [{'Wa': _w(rng, (AUG - AUG // 2) + HDIM, HDIM), 'ba': _b(HDIM), 'Wb': _w(rng, HDIM, HDIM), 'bb': _b(HDIM), 'Wc': _w(rng, HDIM, 2 * (AUG // 2)), 'bc': _b(2 * (AUG // 2))} for _ in range(3)],
    }
    op = {
        'L1': _w(rng, IDIM + PC, 64), 'l1': _b(64), 'L2': _w(rng, 64, 64), 'l2': _b(64), 'L3': _w(rng, 64, 32), 'l3': _b(32),
        'Wp': _w(rng, 32, 1), 'bp': _b(1),
        'D1': _w(rng, IDIM, IDIM // 2), 'd1': _b(IDIM // 2), 'D2': _w(rng, IDIM // 2, IDIM // 4), 'd2': _b(IDIM // 4), 'D3': _w(rng, IDIM // 4, PC), 'd3': _b(PC),
    }
    params = {'flows': flows, 'aug': aug, 'op': op}
    return {'xyz': xyz, 'params': params}


def _soft_clamp(s, c=1.9):
    return c * (2.0 / np.pi) * jnp.arctan(s / c)


def _gather(x, idx):
    return jax.vmap(lambda xb, ib: xb[ib])(x, idx)


def _knn_idx(k, f):
    sq = jnp.sum(f * f, axis=-1)
    d = sq[:, :, None] + sq[:, None, :] - 2.0 * jnp.einsum('bnd,bmd->bnm', f, f)
    _, idx = jax.lax.top_k(-d, k)
    return jax.lax.stop_gradient(idx)


def _gauss_logp(z):
    return -0.5 * jnp.sum(z * z + jnp.log(2.0 * np.pi), axis=(1, 2))


def _linear_unit(x1, p):
    h = jax.nn.relu(x1 @ p['W1'] + p['b1'])
    h = jax.nn.relu(h @ p['W2'] + p['b2'])
    o = h @ p['W3'] + p['b3']
    return o[..., :C2], o[..., C2:]


def _knn_unit(x1, idx, p):
    nb = _gather(x1, idx)
    ctr = x1[:, :, None, :]
    e = jnp.concatenate([jnp.broadcast_to(ctr, nb.shape), nb - ctr], axis=-1)
    h = jax.nn.relu(e @ p['W1'] + p['b1'])
    h = jax.nn.relu(h @ p['W2'] + p['b2'])
    h = jnp.max(h, axis=2)
    o = h @ p['W3'] + p['b3']
    return o[..., :C2], o[..., C2:]


def _coupling_fwd(x, net, p, idx=None):
    x1, x2 = x[..., :C1], x[..., C1:]
    s, t = (net(x1, p) if idx is None else net(x1, idx, p))
    s = _soft_clamp(s)
    y2 = x2 * jnp.exp(s) + t
    return jnp.concatenate([x1, y2], axis=-1), jnp.sum(s, axis=(1, 2))


def _coupling_inv(y, net, p, idx=None):
    y1, y2 = y[..., :C1], y[..., C1:]
    s, t = (net(y1, p) if idx is None else net(y1, idx, p))
    s = _soft_clamp(s)
    x2 = (y2 - t) * jnp.exp(-s)
    return jnp.concatenate([y1, x2], axis=-1)


def _flow_fwd(x, idx, p):
    N = x.shape[1]
    x = x[..., ::-1]
    x = (x + p['an_bias']) * jnp.exp(p['an_logs'])
    ld0 = jnp.full((x.shape[0],), N * jnp.sum(p['an_logs']))
    x, ld1 = _coupling_fwd(x, _linear_unit, p['c1'])
    x = x[..., ::-1]
    x, ld3 = _coupling_fwd(x, _knn_unit, p['c2'], idx)
    return x, ld0 + ld1 + ld3


def _flow_inv(z, idx, p):
    z = _coupling_inv(z, _knn_unit, p['c2'], idx)
    z = z[..., ::-1]
    z = _coupling_inv(z, _linear_unit, p['c1'])
    z = z * jnp.exp(-p['an_logs']) - p['an_bias']
    z = z[..., ::-1]
    return z


def _augment(xyz, p):
    B, N, _ = xyz.shape
    h = jax.nn.relu(xyz @ p['sh_W1'] + p['sh_b1'])
    feat = jax.nn.relu(h @ p['sh_W2'] + p['sh_b2'])
    eps = jax.random.normal(jax.random.PRNGKey(42), (B, N, AUG), jnp.float32)
    logp = _gauss_logp(eps)
    y = eps
    ldj = jnp.zeros((B,), jnp.float32)
    c1a = AUG - AUG // 2
    for j, sp in enumerate(p['steps']):
        rev = (j == 1)
        if rev:
            y = y[..., ::-1]
        y1, y2 = y[..., :c1a], y[..., c1a:]
        hh = jax.nn.relu(jnp.concatenate([y1, feat], axis=-1) @ sp['Wa'] + sp['ba'])
        hh = jax.nn.relu(hh @ sp['Wb'] + sp['bb'])
        o = hh @ sp['Wc'] + sp['bc']
        s, t = _soft_clamp(o[..., :AUG // 2]), o[..., AUG // 2:]
        y2 = y2 * jnp.exp(s) + t
        ldj = ldj + jnp.sum(s, axis=(1, 2))
        y = jnp.concatenate([y1, y2], axis=-1)
        if rev:
            y = y[..., ::-1]
    return y, logp - ldj


def _outlier_pool(xyz, f, p):
    B, N, _ = xyz.shape
    x = jnp.concatenate([f, xyz], axis=-1)
    h = jax.nn.leaky_relu(x @ p['L1'] + p['l1'], 0.01)
    h = jax.nn.leaky_relu(h @ p['L2'] + p['l2'], 0.01)
    h = jax.nn.relu(h @ p['L3'] + p['l3'])
    probs = jnp.squeeze((h @ p['Wp'] + p['bp']) / jnp.linalg.norm(p['Wp']), -1)
    prob_idx = jax.lax.stop_gradient(jnp.argsort(-probs, axis=-1))
    no = int(N * OUTLIER_PCT)
    clean_idx = prob_idx[:, no:]
    y = jax.nn.sigmoid(jnp.take_along_axis(probs, clean_idx, axis=1))
    px = _gather(f, clean_idx) * y[..., None]
    d = jax.nn.relu(px @ p['D1'] + p['d1'])
    d = jax.nn.relu(d @ p['D2'] + p['d2'])
    d = d @ p['D3'] + p['d3']
    est_xyz = _gather(xyz, clean_idx) + d
    return prob_idx, est_xyz


def _forward(xyz, params):
    B, N, _ = xyz.shape
    y, aug_ldj = _augment(xyz, params['aug'])
    x = jnp.concatenate([xyz, y], axis=-1)
    log_det = jnp.zeros((B,), jnp.float32)
    idxes = []
    prob_idx = None
    est_xyz = None
    for i in range(NFLOW):
        if i < len(PRE_KS):
            knn = _knn_idx(PRE_KS[i], xyz)
        else:
            knn = _knn_idx(16, x)
        idxes.append(knn)
        x, ld = _flow_fwd(x, knn, params['flows'][i])
        log_det = log_det + ld
        if i == 2:
            prob_idx, est_xyz = _outlier_pool(xyz, x, params['op'])
    z = x
    logpz = _gauss_logp(z)
    ldj = -jnp.mean(logpz + log_det - aug_ldj)
    no = int(N * OUTLIER_PCT)
    idxb = jnp.arange(B)[:, None]
    z = z.at[idxb, prob_idx[:, :no], -OUTC:].set(0.0)
    z = z.at[:, :, -NOISE:].set(0.0)
    for i in reversed(range(NFLOW)):
        z = _flow_inv(z, idxes[i], params['flows'][i])
    clean_x = z[..., :PC]
    return clean_x, ldj, est_xyz


def reference(xyz, params):
    return _forward(xyz, params)

if __name__ == "__main__":
    import jax
    _d = setup_inputs()
    print(jax.jit(kernel)(*tuple(_d.values())))

</pallas_src>

<mosaic_0001>
#map = affine_map<(d0, d1) -> (0, 0)>
#map1 = affine_map<(d0, d1) -> (0, 0, 0)>
module attributes {stable_mosaic.version = 14 : i64} {
  func.func @gk(%arg0: i32, %arg1: i32, %arg2: memref<8192x128xf32, #tpu.memory_space<hbm>>, %arg3: memref<32x16x128xi32, #tpu.memory_space<hbm>>, %arg4: memref<65536x128xf32, #tpu.memory_space<hbm>>, %arg5: memref<16x128xi32, #tpu.memory_space<vmem>>, %arg6: memref<4x128x128xf32, #tpu.memory_space<vmem>>, %arg7: memref<!tpu.dma_semaphore, #tpu.memory_space<semaphore_mem>>) attributes {dimension_semantics = [#tpu.dimension_semantics<core_parallel>, #tpu.dimension_semantics<subcore_parallel>], iteration_bounds = array<i64: 2, 16>, scalar_prefetch = 0 : i64, scratch_operands = 3 : i64, tpu.core_type = #tpu.core_type<sc_vector_subcore>, window_params = [{transform_indices = #map}, {transform_indices = #map1}, {transform_indices = #map}]} {
    %mul3A = arith.constant 2 : i32
    %mul3A_0 = arith.muli %arg1, %mul3A : i32
    %add3A = arith.addi %mul3A_0, %arg0 : i32
    "tpu.region"() ({
      %run_scoped3A = tpu.sem_alloc : memref<!tpu.dma_semaphore, #tpu.memory_space<semaphore_mem>>
      %dma_start3A_43 = arith.constant 0 : i32
      %dma_start3A_44 = arith.constant 0 : i32
      %dma_start3A_45 = tpu.memref_slice %arg3[%add3A, %dma_start3A_43, %dma_start3A_44] : memref<32x16x128xi32, #tpu.memory_space<hbm>> -> memref<1x16x128xi32, #tpu.memory_space<hbm>>
      %dma_start3A_46 = tpu.memref_squeeze %dma_start3A_45 : memref<1x16x128xi32, #tpu.memory_space<hbm>> -> memref<16x128xi32, #tpu.memory_space<hbm>>
      %dma_start3A_47 = arith.constant 0 : i32
      %dma_start3A_48 = arith.constant 0 : i32
      %dma_start3A_49 = tpu.memref_slice %arg3[%add3A, %dma_start3A_47, %dma_start3A_48] : memref<32x16x128xi32, #tpu.memory_space<hbm>> -> memref<1x16x128xi32, #tpu.memory_space<hbm>>
      %dma_start3A_50 = tpu.memref_squeeze %dma_start3A_49 : memref<1x16x128xi32, #tpu.memory_space<hbm>> -> memref<16x128xi32, #tpu.memory_space<hbm>>
      tpu.enqueue_dma source(%dma_start3A_50 : memref<16x128xi32, #tpu.memory_space<hbm>>) target(%arg5 : memref<16x128xi32, #tpu.memory_space<vmem>>) target_semaphore(%run_scoped3A : memref<!tpu.dma_semaphore, #tpu.memory_space<semaphore_mem>>)
      %dma_wait3A = arith.constant 0 : i32
      %dma_wait3A_51 = arith.constant 0 : i32
      %dma_wait3A_52 = tpu.memref_slice %arg3[%add3A, %dma_wait3A, %dma_wait3A_51] : memref<32x16x128xi32, #tpu.memory_space<hbm>> -> memref<1x16x128xi32, #tpu.memory_space<hbm>>
      %dma_wait3A_53 = tpu.memref_squeeze %dma_wait3A_52 : memref<1x16x128xi32, #tpu.memory_space<hbm>> -> memref<16x128xi32, #tpu.memory_space<hbm>>
      %dma_wait3A_54 = arith.constant 0 : i32
      %dma_wait3A_55 = arith.constant 0 : i32
      %dma_wait3A_56 = tpu.memref_slice %arg3[%add3A, %dma_wait3A_54, %dma_wait3A_55] : memref<32x16x128xi32, #tpu.memory_space<hbm>> -> memref<1x16x128xi32, #tpu.memory_space<hbm>>
      %dma_wait3A_57 = tpu.memref_squeeze %dma_wait3A_56 : memref<1x16x128xi32, #tpu.memory_space<hbm>> -> memref<16x128xi32, #tpu.memory_space<hbm>>
      tpu.wait_dma2 semaphore(%run_scoped3A : memref<!tpu.dma_semaphore, #tpu.memory_space<semaphore_mem>>) src(%dma_wait3A_57 : memref<16x128xi32, #tpu.memory_space<hbm>>) dst(%arg5 : memref<16x128xi32, #tpu.memory_space<vmem>>)
      tpu.yield
    }) : () -> ()
    %mul3A_1 = arith.constant 2048 : i32
    %mul3A_2 = arith.muli %add3A, %mul3A_1 : i32
    %dma_start3A = arith.constant 0 : i32
    %dma_start3A_3 = arith.constant 0 : i32
    %dma_start3A_4 = arith.constant 0 : i32
    %dma_start3A_5 = arith.constant 0 : i32
    %dma_start3A_6 = tpu.memref_slice %arg6[%dma_start3A_3, %dma_start3A_4, %dma_start3A_5] : memref<4x128x128xf32, #tpu.memory_space<vmem>> -> memref<1x128x128xf32, #tpu.memory_space<vmem>>
    %dma_start3A_7 = tpu.memref_squeeze %dma_start3A_6 : memref<1x128x128xf32, #tpu.memory_space<vmem>> -> memref<128x128xf32, #tpu.memory_space<vmem>>
    %dma_start3A_8 = arith.constant 0 : i32
    %dma_start3A_9 = tpu.memref_slice %arg5[%dma_start3A, %dma_start3A_8] : memref<16x128xi32, #tpu.memory_space<vmem>> -> memref<1x128xi32, #tpu.memory_space<vmem>>
    %dma_start3A_10 = tpu.memref_squeeze %dma_start3A_9 : memref<1x128xi32, #tpu.memory_space<vmem>> -> memref<128xi32, #tpu.memory_space<vmem>>
    %dma_start3A_11 = arith.constant 0 : i32
    %dma_start3A_12 = arith.constant 0 : i32
    %dma_start3A_13 = tpu.memref_slice %arg2[%dma_start3A_11, %dma_start3A_12] : memref<8192x128xf32, #tpu.memory_space<hbm>> -> memref<8192x128xf32, #tpu.memory_space<hbm>>
    tpu.enqueue_indirect_dma source(%dma_start3A_13 : memref<8192x128xf32, #tpu.memory_space<hbm>>) target(%dma_start3A_7 : memref<128x128xf32, #tpu.memory_space<vmem>>) offsets(%dma_start3A_10 : memref<128xi32, #tpu.memory_space<vmem>>) semaphore(%arg7 : memref<!tpu.dma_semaphore, #tpu.memory_space<semaphore_mem>>)
    %dma_start3A_14 = arith.constant 1 : i32
    %dma_start3A_15 = arith.constant 1 : i32
    %dma_start3A_16 = arith.constant 0 : i32
    %dma_start3A_17 = arith.constant 0 : i32
    %dma_start3A_18 = tpu.memref_slice %arg6[%dma_start3A_15, %dma_start3A_16, %dma_start3A_17] : memref<4x128x128xf32, #tpu.memory_space<vmem>> -> memref<1x128x128xf32, #tpu.memory_space<vmem>>
    %dma_start3A_19 = tpu.memref_squeeze %dma_start3A_18 : memref<1x128x128xf32, #tpu.memory_space<vmem>> -> memref<128x128xf32, #tpu.memory_space<vmem>>
    %dma_start3A_20 = arith.constant 0 : i32
    %dma_start3A_21 = tpu.memref_slice %arg5[%dma_start3A_14, %dma_start3A_20] : memref<16x128xi32, #tpu.memory_space<vmem>> -> memref<1x128xi32, #tpu.memory_space<vmem>>
    %dma_start3A_22 = tpu.memref_squeeze %dma_start3A_21 : memref<1x128xi32, #tpu.memory_space<vmem>> -> memref<128xi32, #tpu.memory_space<vmem>>
    %dma_start3A_23 = arith.constant 0 : i32
    %dma_start3A_24 = arith.constant 0 : i32
    %dma_start3A_25 = tpu.memref_slice %arg2[%dma_start3A_23, %dma_start3A_24] : memref<8192x128xf32, #tpu.memory_space<hbm>> -> memref<8192x128xf32, #tpu.memory_space<hbm>>
    tpu.enqueue_indirect_dma source(%dma_start3A_25 : memref<8192x128xf32, #tpu.memory_space<hbm>>) target(%dma_start3A_19 : memref<128x128xf32, #tpu.memory_space<vmem>>) offsets(%dma_start3A_22 : memref<128xi32, #tpu.memory_space<vmem>>) semaphore(%arg7 : memref<!tpu.dma_semaphore, #tpu.memory_space<semaphore_mem>>)
    %dma_start3A_26 = arith.constant 2 : i32
    %dma_start3A_27 = arith.constant 2 : i32
    %dma_start3A_28 = arith.constant 0 : i32
    %dma_start3A_29 = arith.constant 0 : i32
    %dma_start3A_30 = tpu.memref_slice %arg6[%dma_start3A_27, %dma_start3A_28, %dma_start3A_29] : memref<4x128x128xf32, #tpu.memory_space<vmem>> -> memref<1x128x128xf32, #tpu.memory_space<vmem>>
    %dma_start3A_31 = tpu.memref_squeeze %dma_start3A_30 : memref<1x128x128xf32, #tpu.memory_space<vmem>> -> memref<128x128xf32, #tpu.memory_space<vmem>>
    %dma_start3A_32 = arith.constant 0 : i32
    %dma_start3A_33 = tpu.memref_slice %arg5[%dma_start3A_26, %dma_start3A_32] : memref<16x128xi32, #tpu.memory_space<vmem>> -> memref<1x128xi32, #tpu.memory_space<vmem>>
    %dma_start3A_34 = tpu.memref_squeeze %dma_start3A_33 : memref<1x128xi32, #tpu.memory_space<vmem>> -> memref<128xi32, #tpu.memory_space<vmem>>
    %dma_start3A_35 = arith.constant 0 : i32
    %dma_start3A_36 = arith.constant 0 : i32
    %dma_start3A_37 = tpu.memref_slice %arg2[%dma_start3A_35, %dma_start3A_36] : memref<8192x128xf32, #tpu.memory_space<hbm>> -> memref<8192x128xf32, #tpu.memory_space<hbm>>
    tpu.enqueue_indirect_dma source(%dma_start3A_37 : memref<8192x128xf32, #tpu.memory_space<hbm>>) target(%dma_start3A_31 : memref<128x128xf32, #tpu.memory_space<vmem>>) offsets(%dma_start3A_34 : memref<128xi32, #tpu.memory_space<vmem>>) semaphore(%arg7 : memref<!tpu.dma_semaphore, #tpu.memory_space<semaphore_mem>>)
    %scan3A = arith.constant 0 : i32
    %scan3A_38 = arith.constant 0 : i32
    %scan3A_39 = arith.constant 16 : i32
    %scan3A_40 = arith.addi %scan3A_38, %scan3A_39 : i32
    %scan3A_41 = arith.constant 1 : i32
    scf.for %scan3A_43 = %scan3A_38 to %scan3A_40 step %scan3A_41  : i32 {
      %rem3A = arith.constant 4 : i32
      %rem3A_44 = arith.remsi %scan3A_43, %rem3A : i32
      %add3A_45 = arith.constant 4 : i32
      %add3A_46 = arith.addi %scan3A_43, %add3A_45 : i32
      %sub3A = arith.constant 1 : i32
      %sub3A_47 = arith.subi %add3A_46, %sub3A : i32
      %lt3A = arith.constant 16 : i32
      %lt3A_48 = arith.cmpi slt, %sub3A_47, %lt3A : i32
      %convert_element_type3A = arith.extui %lt3A_48 : i1 to i32
      %cond3A = arith.constant 0 : i32
      %cond3A_49 = arith.cmpi ne, %convert_element_type3A, %cond3A : i32
      scf.if %cond3A_49 {
        %add3A_62 = arith.constant 4 : i32
        %add3A_63 = arith.addi %scan3A_43, %add3A_62 : i32
        %sub3A_64 = arith.constant 1 : i32
        %sub3A_65 = arith.subi %add3A_63, %sub3A_64 : i32
        %add3A_66 = arith.constant 4 : i32
        %add3A_67 = arith.addi %scan3A_43, %add3A_66 : i32
        %sub3A_68 = arith.constant 1 : i32
        %sub3A_69 = arith.subi %add3A_67, %sub3A_68 : i32
        %rem3A_70 = arith.constant 4 : i32
        %rem3A_71 = arith.remsi %sub3A_69, %rem3A_70 : i32
        %dma_start3A_72 = arith.constant 0 : i32
        %dma_start3A_73 = arith.constant 0 : i32
        %dma_start3A_74 = tpu.memref_slice %arg6[%rem3A_71, %dma_start3A_72, %dma_start3A_73] : memref<4x128x128xf32, #tpu.memory_space<vmem>> -> memref<1x128x128xf32, #tpu.memory_space<vmem>>
        %dma_start3A_75 = tpu.memref_squeeze %dma_start3A_74 : memref<1x128x128xf32, #tpu.memory_space<vmem>> -> memref<128x128xf32, #tpu.memory_space<vmem>>
        %dma_start3A_76 = arith.constant 0 : i32
        %dma_start3A_77 = tpu.memref_slice %arg5[%sub3A_65, %dma_start3A_76] : memref<16x128xi32, #tpu.memory_space<vmem>> -> memref<1x128xi32, #tpu.memory_space<vmem>>
        %dma_start3A_78 = tpu.memref_squeeze %dma_start3A_77 : memref<1x128xi32, #tpu.memory_space<vmem>> -> memref<128xi32, #tpu.memory_space<vmem>>
        %dma_start3A_79 = arith.constant 0 : i32
        %dma_start3A_80 = arith.constant 0 : i32
        %dma_start3A_81 = tpu.memref_slice %arg2[%dma_start3A_79, %dma_start3A_80] : memref<8192x128xf32, #tpu.memory_space<hbm>> -> memref<8192x128xf32, #tpu.memory_space<hbm>>
        tpu.enqueue_indirect_dma source(%dma_start3A_81 : memref<8192x128xf32, #tpu.memory_space<hbm>>) target(%dma_start3A_75 : memref<128x128xf32, #tpu.memory_space<vmem>>) offsets(%dma_start3A_78 : memref<128xi32, #tpu.memory_space<vmem>>) semaphore(%arg7 : memref<!tpu.dma_semaphore, #tpu.memory_space<semaphore_mem>>)
      } else {
      }
      %dma_wait3A = arith.constant 0 : i32
      %dma_wait3A_50 = arith.constant 0 : i32
      %dma_wait3A_51 = tpu.memref_slice %arg6[%rem3A_44, %dma_wait3A, %dma_wait3A_50] : memref<4x128x128xf32, #tpu.memory_space<vmem>> -> memref<1x128x128xf32, #tpu.memory_space<vmem>>
      %dma_wait3A_52 = tpu.memref_squeeze %dma_wait3A_51 : memref<1x128x128xf32, #tpu.memory_space<vmem>> -> memref<128x128xf32, #tpu.memory_space<vmem>>
      %dma_wait3A_53 = arith.constant 0 : i32
      %dma_wait3A_54 = tpu.memref_slice %arg5[%scan3A_43, %dma_wait3A_53] : memref<16x128xi32, #tpu.memory_space<vmem>> -> memref<1x128xi32, #tpu.memory_space<vmem>>
      %dma_wait3A_55 = tpu.memref_squeeze %dma_wait3A_54 : memref<1x128xi32, #tpu.memory_space<vmem>> -> memref<128xi32, #tpu.memory_space<vmem>>
      %dma_wait3A_56 = arith.constant 0 : i32
      %dma_wait3A_57 = arith.constant 0 : i32
      %dma_wait3A_58 = tpu.memref_slice %arg2[%dma_wait3A_56, %dma_wait3A_57] : memref<8192x128xf32, #tpu.memory_space<hbm>> -> memref<8192x128xf32, #tpu.memory_space<hbm>>
      tpu.wait_indirect_dma semaphore(%arg7 : memref<!tpu.dma_semaphore, #tpu.memory_space<semaphore_mem>>) src(%dma_wait3A_58 : memref<8192x128xf32, #tpu.memory_space<hbm>>) dst(%dma_wait3A_52 : memref<128x128xf32, #tpu.memory_space<vmem>>)
      %mul3A_59 = arith.constant 128 : i32
      %mul3A_60 = arith.muli %scan3A_43, %mul3A_59 : i32
      %add3A_61 = arith.addi %mul3A_2, %mul3A_60 : i32
      "tpu.region"() ({
        %run_scoped3A = tpu.sem_alloc : memref<!tpu.dma_semaphore, #tpu.memory_space<semaphore_mem>>
        %dma_start3A_62 = arith.constant 0 : i32
        %dma_start3A_63 = arith.constant 0 : i32
        %dma_start3A_64 = tpu.memref_slice %arg6[%rem3A_44, %dma_start3A_62, %dma_start3A_63] : memref<4x128x128xf32, #tpu.memory_space<vmem>> -> memref<1x128x128xf32, #tpu.memory_space<vmem>>
        %dma_start3A_65 = tpu.memref_squeeze %dma_start3A_64 : memref<1x128x128xf32, #tpu.memory_space<vmem>> -> memref<128x128xf32, #tpu.memory_space<vmem>>
        %dma_start3A_66 = arith.constant 0 : i32
        %dma_start3A_67 = tpu.memref_slice %arg4[%add3A_61, %dma_start3A_66] : memref<65536x128xf32, #tpu.memory_space<hbm>> -> memref<128x128xf32, #tpu.memory_space<hbm>>
        %dma_start3A_68 = arith.constant 0 : i32
        %dma_start3A_69 = tpu.memref_slice %arg4[%add3A_61, %dma_start3A_68] : memref<65536x128xf32, #tpu.memory_space<hbm>> -> memref<128x128xf32, #tpu.memory_space<hbm>>
        %dma_start3A_70 = arith.constant 0 : i32
        %dma_start3A_71 = arith.constant 0 : i32
        %dma_start3A_72 = tpu.memref_slice %arg6[%rem3A_44, %dma_start3A_70, %dma_start3A_71] : memref<4x128x128xf32, #tpu.memory_space<vmem>> -> memref<1x128x128xf32, #tpu.memory_space<vmem>>
        %dma_start3A_73 = tpu.memref_squeeze %dma_start3A_72 : memref<1x128x128xf32, #tpu.memory_space<vmem>> -> memref<128x128xf32, #tpu.memory_space<vmem>>
        tpu.enqueue_dma source(%dma_start3A_73 : memref<128x128xf32, #tpu.memory_space<vmem>>) target(%dma_start3A_69 : memref<128x128xf32, #tpu.memory_space<hbm>>) target_semaphore(%run_scoped3A : memref<!tpu.dma_semaphore, #tpu.memory_space<semaphore_mem>>)
        %dma_wait3A_74 = arith.constant 0 : i32
        %dma_wait3A_75 = arith.constant 0 : i32
        %dma_wait3A_76 = tpu.memref_slice %arg6[%rem3A_44, %dma_wait3A_74, %dma_wait3A_75] : memref<4x128x128xf32, #tpu.memory_space<vmem>> -> memref<1x128x128xf32, #tpu.memory_space<vmem>>
        %dma_wait3A_77 = tpu.memref_squeeze %dma_wait3A_76 : memref<1x128x128xf32, #tpu.memory_space<vmem>> -> memref<128x128xf32, #tpu.memory_space<vmem>>
        %dma_wait3A_78 = arith.constant 0 : i32
        %dma_wait3A_79 = tpu.memref_slice %arg4[%add3A_61, %dma_wait3A_78] : memref<65536x128xf32, #tpu.memory_space<hbm>> -> memref<128x128xf32, #tpu.memory_space<hbm>>
        %dma_wait3A_80 = arith.constant 0 : i32
        %dma_wait3A_81 = tpu.memref_slice %arg4[%add3A_61, %dma_wait3A_80] : memref<65536x128xf32, #tpu.memory_space<hbm>> -> memref<128x128xf32, #tpu.memory_space<hbm>>
        %dma_wait3A_82 = arith.constant 0 : i32
        %dma_wait3A_83 = arith.constant 0 : i32
        %dma_wait3A_84 = tpu.memref_slice %arg6[%rem3A_44, %dma_wait3A_82, %dma_wait3A_83] : memref<4x128x128xf32, #tpu.memory_space<vmem>> -> memref<1x128x128xf32, #tpu.memory_space<vmem>>
        %dma_wait3A_85 = tpu.memref_squeeze %dma_wait3A_84 : memref<1x128x128xf32, #tpu.memory_space<vmem>> -> memref<128x128xf32, #tpu.memory_space<vmem>>
        tpu.wait_dma2 semaphore(%run_scoped3A : memref<!tpu.dma_semaphore, #tpu.memory_space<semaphore_mem>>) src(%dma_wait3A_85 : memref<128x128xf32, #tpu.memory_space<vmem>>) dst(%dma_wait3A_81 : memref<128x128xf32, #tpu.memory_space<hbm>>)
        tpu.yield
      }) : () -> ()
    }
    %scan3A_42 = arith.constant 16 : i32
    return
  }
}

</mosaic_0001>

<sc_bundles>
// kernel: _sc_gather.3.cloned.1.call-start
scs
__scs_entry_jumppad:
0x0: {  	(pc) =	sbr.rel $0x88, $3  }
0x1: {  	(tag) =	ssettag $0x0;
	lr =	simm.s32 $0x1  }
0x2: {  	[smem:$0x3F9F] =	sst lr;
	_ =	strace $0xD0000000  }
0x3: {  	_ = 	snop  }
0x4: {  	_ = 	snop  }
0x5: {  	_ = 	snop  }
0x6: {  	_ = 	snop  }
0x7: {  	_ = 	snop  }
__scs_overlays_trampoline_lowered:
0x8: {  	[smem:$0x3FAE] =	sst s0  }
0x9: {  	[smem:$0x3FAF] =	sst s1  }
0xa: {  	[smem:$0x3FB0] =	sst s2  }
0xb: {  	[smem:$0x3FB1] =	sst s3  }
0xc: {  	[smem:$0x3FB2] =	sst s4  }
0xd: {  	[smem:$0x3FB3] =	sst s5  }
0xe: {  	[smem:$0x3FB4] =	sst s6  }
0xf: {  	[smem:$0x3FB5] =	sst s7  }
0x10: {  	[smem:$0x3FB6] =	sst s8  }
0x11: {  	[smem:$0x3FB7] =	sst s9;
	s0 =	simm.s32 @!p0 $0x0  }
0x12: {  	s1 =	sld [smem:$0x3F9D];
	s0 =	simm.s32 @p0 $0x1  }
0x13: {  	[smem:$0x3FB8] =	sst s0;
	s0 =	simm.s32 @!p1 $0x0  }
0x14: {  	s2 =	sld [smem:$0x3F9C];
	s0 =	simm.s32 @p1 $0x1  }
0x15: {  	[smem:$0x3FB9] =	sst s0;
	s0 =	simm.s32 @!p2 $0x0  }
0x16: {  	s3 =	sld [smem:$0x3FDB];
	s0 =	simm.s32 @p2 $0x1  }
0x17: {  	s4 =	simm.s32 $0x1BF5;
	[smem:$0x3FBB] =	sst s0  }
0x18: {  	s0 =	sld [smem:$0x3F9E];
	_ =	swait.ge [sflag:s4], $0x0  }
0x19: {  	s7 =	sld [smem:$0x3F9F]  }
0x1a: {  	s8 =	sadd.s32 $0xFFFFE003, lr  }
0x1b: {  	s9 =	sadd.s32 $0xFFFFFEF7, lr;
	s5 =	simm.s32 $0xFFFFFFFF;
	p2 =	slt.u32 s8, $0xFFFFF086  }
0x1c: {  	p1 =	slt.u32 s9, $0xF7A;
	s5 =	simm.s32 @!p2 $0x0  }
0x1d: {  	s5 =	simm.s32 @p1 $0x1;
	p0 =	seq.s32 s7, s2  }
0x1e: {  	s7 =	smul.u32 @!p0 $0xF7A, s2;
	p2 =	seq.s32 @!p0 s5, $0x0  }
0x1f: {  	s9 =	smul.u32 $0xF7A, s1;
	s8 =	simm.s32 @!p0 $0x1BF5;
	p2 =	por !p2, p0  }
0x20: {  	[sflag:s8] =	ssyncset.s32 @!p0 $0xFFFFF086;
	s6 =	sadd.s32 @!p0 s3, s7;
	s7 =	simm.s32 @!p0 $0x108  }
0x21: {  	s3 =	sadd.s32 s3, s9;
	s6 =	sadd.s32 @!p0 $0x88, s6;
	s7 =	simm.s32 @p2 $0x1082  }
0x22: {  	[simem:s7], [sflag:s8] =	dma.local @!p0 [hbm:s6], $0xF7A  }
0x23: {  	s9 =	sor.u32 $0xD0000000, s2;
	s6 =	simm.s32 $0x108;
	_ =	swait.ge @!p0 [sflag:s8], $0x0  }
0x24: {  	s3 =	sadd.s32 $0x88, s3;
	s6 =	simm.s32 @!p1 $0x1082;
	[sflag:s4] =	ssyncset.s32 $0xFFFFF086  }
0x25: {  	[simem:s6], [sflag:s4] =	dma.local [hbm:s3], $0xF7A  }
0x26: {  	[smem:$0x3F9F] =	sst s1;
	(tag) =	ssettag s2;
	_ =	strace s9  }
0x27: {  	s1 =	sld [smem:$0x3FAF]  }
0x28: {  	s2 =	sld [smem:$0x3FB0]  }
0x29: {  	s4 =	sld [smem:$0x3FB2]  }
0x2a: {  	p0 =	seq.s32 s5, $0x0;
	s5 =	sld [smem:$0x3FB3]  }
0x2b: {  	s6 =	sld [smem:$0x3FB4]  }
0x2c: {  	s7 =	sld [smem:$0x3FB5]  }
0x2d: {  	s3 =	simm.s32 $0x108;
	s8 =	sld [smem:$0x3FB6]  }
0x2e: {  	s3 =	simm.s32 @!p0 $0x1082;
	s9 =	sld [smem:$0x3FB7]  }
0x2f: {  	lr =	sadd.s32 s0, s3;
	s0 =	sld [smem:$0x3FAE]  }
0x30: {  	s3 =	sld [smem:$0x3FB1]  }
0x31: {  	[smem:$0x3FBA] =	sst s10  }
0x32: {  	s10 =	sld [smem:$0x3FB8];
	_ =	sdelay $0x3  }
0x33: {  	p0 =	seq.s32 s10, $0x1;
	s10 =	sld [smem:$0x3FBA];
	_ =	sdelay $0x3  }
0x34: {  	[smem:$0x3FBA] =	sst s10  }
0x35: {  	s10 =	sld [smem:$0x3FB9];
	_ =	sdelay $0x3  }
0x36: {  	p1 =	seq.s32 s10, $0x1;
	s10 =	sld [smem:$0x3FBA];
	_ =	sdelay $0x3  }
0x37: {  	[smem:$0x3FBA] =	sst s10  }
0x38: {  	s10 =	sld [smem:$0x3FBB]  }
0x39: {  	_ = 	snop;
	(pc) =	sbr.ind lr, $3  }
0x3a: {  	_ = 	snop  }
0x3b: {  	_ = 	snop  }
0x3c: {  	p2 =	seq.s32 s10, $0x1;
	s10 =	sld [smem:$0x3FBA]  }
0x3d: {  	_ =	shalt  }
0x3e: {  	_ =	shalt  }
0x3f: {  	_ =	shalt  }
0x40: {  	_ =	shalt  }
0x41: {  	_ =	shalt  }
0x42: {  	_ =	shalt  }
0x43: {  	_ =	shalt  }
0x44: {  	_ =	shalt  }
0x45: {  	_ =	shalt  }
0x46: {  	_ =	shalt  }
0x47: {  	_ =	shalt  }
0x48: {  	_ =	shalt  }
0x49: {  	_ =	shalt  }
0x4a: {  	_ =	shalt  }
0x4b: {  	_ =	shalt  }
0x4c: {  	_ =	shalt  }
0x4d: {  	_ =	shalt  }
0x4e: {  	_ =	shalt  }
0x4f: {  	_ =	shalt  }
0x50: {  	_ =	shalt  }
0x51: {  	_ =	shalt  }
0x52: {  	_ =	shalt  }
0x53: {  	_ =	shalt  }
0x54: {  	_ =	shalt  }
0x55: {  	_ =	shalt  }
0x56: {  	_ =	shalt  }
0x57: {  	_ =	shalt  }
0x58: {  	_ =	shalt  }
0x59: {  	_ =	shalt  }
0x5a: {  	_ =	shalt  }
0x5b: {  	_ =	shalt  }
0x5c: {  	_ =	shalt  }
0x5d: {  	_ =	shalt  }
0x5e: {  	_ =	shalt  }
0x5f: {  	_ =	shalt  }
0x60: {  	_ =	shalt  }
0x61: {  	_ =	shalt  }
0x62: {  	_ =	shalt  }
0x63: {  	_ =	shalt  }
0x64: {  	_ =	shalt  }
0x65: {  	_ =	shalt  }
0x66: {  	_ =	shalt  }
0x67: {  	_ =	shalt  }
0x68: {  	_ =	shalt  }
0x69: {  	_ =	shalt  }
0x6a: {  	_ =	shalt  }
0x6b: {  	_ =	shalt  }
0x6c: {  	_ =	shalt  }
0x6d: {  	_ =	shalt  }
0x6e: {  	_ =	shalt  }
0x6f: {  	_ =	shalt  }
0x70: {  	_ =	shalt  }
0x71: {  	_ =	shalt  }
0x72: {  	_ =	shalt  }
0x73: {  	_ =	shalt  }
0x74: {  	_ =	shalt  }
0x75: {  	_ =	shalt  }
0x76: {  	_ =	shalt  }
0x77: {  	_ =	shalt  }
0x78: {  	_ =	shalt  }
0x79: {  	_ =	shalt  }
0x7a: {  	_ =	shalt  }
0x7b: {  	_ =	shalt  }
0x7c: {  	_ =	shalt  }
0x7d: {  	_ =	shalt  }
0x7e: {  	_ =	shalt  }
0x7f: {  	_ =	shalt  }
0x80: {  	_ =	shalt  }
0x81: {  	_ =	shalt  }
0x82: {  	_ =	shalt  }
0x83: {  	_ =	shalt  }
0x84: {  	_ =	shalt  }
0x85: {  	_ =	shalt  }
0x86: {  	_ =	shalt  }
0x87: {  	_ =	shalt  }
.Lfunc_end0:
.L_simem_size_0:
called_computation_lowered:
.L_overlay_start_0:
0x88: {  	s2 =	sld [smem:$0x3FD9]  }
0x89: {  	s3 =	sld [smem:$0x3FFE];
	_ =	sdelay $0x1  }
0x8a: {  	s1 =	srdreg.scid  }
0x8b: {  	s0 =	sand.u32 $0x1, s1  }
0x8c: {  	s18 =	sshll.u32 s0, $0xA;
	s2 =	sadd.s32 s3, s2  }
0x8d: {  	s2 =	sadd.s32 s2, s18  }
0x8e: {  	[smem:$0x3FC6] =	sst s2  }
0x8f: {  	_ = 	snop  }
0x90: {  	s2 =	sld [smem:$0x3FC9]  }
0x91: {  	s19 =	sld [smem:$0x3FC8]  }
0x92: {  	s4 =	sld [smem:$0x3FD0];
	(tm) =	ssettm $0x1  }
0x93: {  	s5 =	sld [smem:$0x3FFB];
	_ =	sdelay $0x3  }
0x94: {  	_ =	strace s5  }
0x95: {  	s5 =	sld [smem:$0x3FFC];
	_ =	sdelay $0x3  }
0x96: {  	_ =	strace s5  }
0x97: {  	s5 =	sld [smem:$0x3FFD];
	_ =	sdelay $0x3  }
0x98: {  	_ =	strace s5  }
0x99: {  	_ =	strace $0x8FFFFFFF  }
0x9a: {  	s20 =	sld [smem:$0x3FDB];
	_ =	sdelay $0x1  }
0x9b: {  	s6 =	simm.s32 $_scs_section_size  }
0x9c: {  	s7 =	simm.s32 $_size__tile_overlayer_lowered;
	s8 =	simm.s32 $_tile_overlayer_lowered  }
0x9d: {  	s23 =	simm.s32 $0x1BFF;
	s22 =	sshll.u32 s8, $0x1;
	s5 =	sadd.s32 s6, s20  }
0x9e: {  	s9 =	simm.s32 $0x0;
	s21 =	sshll.u32 s7, $0x1;
	s7 =	sadd.s32 s22, s5  }
0x9f: {  	[timem:s9], [sflag:s23] =	dma.local [hbm:s7], s21  }
0xa0: {  	_ =	swait.ge [sflag:s23], s21  }
0xa1: {  	s6 =	ssub.s32 $0x0, s21;
	[sflag:s23] =	ssyncset.done $0x0  }
0xa2: {  	[sflag:s23] =	ssyncadd.s32 s6;
	_ =	sdelay $0x1  }
0xa3: {  	s24 =	simm.s32 $0x1B8B  }
0xa4: {  	_ =	swait.ge [sflag:s24], $0x1  }
0xa5: {  	[sflag:s24] =	ssyncset.done $0x0  }
0xa6: {  	s25 =	simm.s32 $0x1B8E;
	[sflag:s24] =	ssyncadd.s32 $0xFFFFFFFF  }
0xa7: {  	s26 =	simm.s32 $execute0_lowered;
	[smem:$0x3FD2] =	sst s25  }
0xa8: {  	s6 =	sshll.u32 s26, $0x1;
	_ =	strace $0x80000046;
	[dreg:$0x1] =	wrdreg $0xFFFFFFFF  }
0xa9: {  	s28 =	simm.s32 $_size_execute0_lowered;
	s5 =	sadd.s32 s5, s6;
	[dreg:$0x0] =	wrdreg $0x0  }
0xaa: {  	s6 =	sshll.u32 s28, $0x1;
	[dreg:$0x2] =	wrdreg s5  }
0xab: {  	[dreg:$0x3] =	wrdreg s6  }
0xac: {  	[dreg:$0x4] =	wrdreg $0xC0  }
0xad: {  	_ =	task [dreg:s9], $0x5FFFF  }
0xae: {  	[dreg:$0x1] =	wrdreg $0xFFFFFFFF  }
0xaf: {  	[dreg:$0x0] =	wrdreg $0x60  }
0xb0: {  	[dreg:$0x2] =	wrdreg s2  }
0xb1: {  	[dreg:$0x3] =	wrdreg s19  }
0xb2: {  	[dreg:$0x4] =	wrdreg s4  }
0xb3: {  	[dreg:$0x5] =	wrdreg $0x9  }
0xb4: {  	_ =	task.clear_ibuf [dreg:s9], $0x6FFFF;
	_ =	strace $0x90000046  }
0xb5: {  	s29 =	simm.s32 $0x9;
	_ =	strace $0x80000048  }
0xb6: {  	_ =	swait.ge [sflag:s29], $0x1  }
0xb7: {  	[sflag:s29] =	ssyncadd.s32 $0xFFFFFFFF  }
0xb8: {  	_ =	strace $0x90000048  }
0xb9: {  	_ =	sfence  }
0xba: {  	s30 =	sld [smem:$0x0];
	_ =	sdelay $0x2  }
0xbb: {  	s31 =	sshll.u32 s1, $0xD;
	s1 =	sshrl.u32 s1, $0x2  }
0xbc: {  	s3 =	sand.u32 $0x4000, s31;
	s1 =	sadd.s32 s1, s30  }
0xbd: {  	s0 =	sor.u32 s3, s0;
	s1 =	sshll.u32 s1, $0x11  }
0xbe: {  	s0 =	sor.u32 s1, s0  }
0xbf: {  	s0 =	sadd.s32 $0x8F2B, s0  }
0xc0: {  	[sflag:s0] =	ssyncadd.remote.s32 $0x1  }
0xc1: {  	_ =	sfence.sel $0xFFFF  }
0xc2: {  	[dreg:$0x0] =	wrdreg $0xFFFFFFFF;
	(pc) =	sbr.abs _section_cstart, $3  }
0xc3: {  	[dreg:$0x1] =	wrdreg $0xFFFFFFFF  }
0xc4: {  	_ =	task.clear_ibuf [dreg:s9], $0x2FFFF;
	_ =	strace $0x9FFFFFFF  }
0xc5: {  	(tm) =	ssettm $0x7FFFFFFF  }
tec
execute0_lowered:
.L_overlay_start_1:
0x0: {  	(tag) =	ssettag $0x1  }
0x1: {  	s1 =	rddreg [dreg:$0x0]  }
0x2: {  	s4 =	rddreg [dreg:$0x1]  }
0x3: {  	s6 =	rddreg [dreg:$0x2];
	s3 =	srdreg.scid  }
0x4: {  	s0 =	rddreg [dreg:$0x3];
	s2 =	stileid.u32;
	s10 =	simm.s32 $0x4800  }
0x5: {  	s11 =	simm.s32 $0x100;
	s12 =	simm.s32 $0x8800;
	s13 =	simm.s32 $0x1  }
0x6: {  	s14 =	simm.s32 $0x0;
	s7 =	sand.u32 $0x1, s3;
	s3 =	simm.s32 $0x0  }
0x7: {  	s5 =	sshll.u32 s2, $0xC;
	s31 =	sshll.u32 s2, $0x10;
	s8 =	sshll.u32 s7, $0xB  }
0x8: {  	[smem:$0x7FF] =	sst s3;
	s9 =	ssub.s32 $0x2, s7;
	s6 =	sadd.s32 s31, s6  }
0x9: {  	s7 =	sshll.u32 s7, $0xF;
	s5 =	sor.u32 s8, s5;
	_ =	strace $0x80000047  }
0xa: {  	s30 =	sshrl.u32 s9, $0x1;
	s6 =	sadd.s32 s7, s6;
	s7 =	simm.s32 $0x2  }
0xb: {  	s5 =	sshrl.u32 s5, $0x3;
	s8 =	ssub.s32 s9, s30;
	s9 =	simm.s32 $0x800  }
0xc: {  	s4 =	sadd.s32 s4, s5;
	s5 =	smax.u32 s8, $0x1;
	s8 =	simm.s32 $0x80  }
.LBB2_1:
0xd: {  	[tilespmem:s3], [sflag:$0x2] =	stream.linear.gather [hbm4b:s4+s3], $0x800, $0x38;
	[tilespmem:$0x10800] =	vst v63  }
0xe: {  	_ =	swait.ge [sflag:s7], $0x800  }
0xf: {  	p0 =	por $0x0, $0x0;
	[sflag:s7] =	ssyncset.done $0x0  }
0x10: {  	s15 =	simm.s32 @!p0 $0x30000;
	[sflag:s7] =	ssyncadd.s32 $0xFFFFF800  }
0x11: {  	[tilespmem:s9], [sflag:$0x1] =	stream.indirect.gather [hbm4b:s1+s8], $0x80, s3, s8, $0xb8;
	[tilespmem:$0x10800] =	vst v63  }
0x12: {  	s15 =	sand.u32 @!p0 $0x30000, s15  }
0x13: {  	[tilespmem:s10], [sflag:$0x1] =	stream.indirect.gather [hbm4b:s1+s8], $0x80, s8, s8, $0xb8;
	[tilespmem:$0x10800] =	vst v63  }
0x14: {  	s16 =	simm.s32 $0x180;
	s17 =	sshrl.u32 @!p0 s15, $0x2  }
0x15: {  	[tilespmem:s12], [sflag:$0x1] =	stream.indirect.gather [hbm4b:s1+s8], $0x80, s11, s8, $0xb8;
	[tilespmem:$0x10800] =	vst v63  }
0x16: {  	s31 =	sand.u32 $0x30000, s3;
	s18 =	simm.s32 @!p0 $0x80;
	s17 =	sor.u32 @!p0 $0x800, s17  }
0x17: {  	[tilespmem:s17], [sflag:$0x1] =	stream.indirect.gather @!p0 [hbm4b:s1+s18], $0x80, s16, s18, $0xb8;
	[tilespmem:$0x10800] =	vst v63  }
0x18: {  	s15 =	simm.s32 $0x10000;
	s17 =	simm.s32 $0x20000;
	_ =	swait.ge [sflag:s13], $0x4000  }
0x19: {  	s16 =	sshrl.u32 s31, $0x2;
	p0 =	por $0x0, $0x0;
	[sflag:s13] =	ssyncset.done $0x0  }
0x1a: {  	s16 =	sor.u32 $0x800, s16;
	s19 =	simm.s32 @!p0 $0x40000;
	[sflag:s13] =	ssyncadd.s32 $0xFFFFC000  }
0x1b: {  	[hbm4b:s6+s3] =	stream.linear.scatter [tilespmem:s16], [sflag:$0x2], $0x4000, $0x38;
	[tilespmem:$0x10800] =	vst v63  }
0x1c: {  	s18 =	simm.s32 $0x1;
	s20 =	sand.u32 @!p0 $0x30000, s19;
	_ =	swait.ge [sflag:s7], $0x4000  }
0x1d: {  	s19 =	simm.s32 $0x200;
	s16 =	sadd.s32 $0x800, s6;
	[sflag:s7] =	ssyncset.done $0x0  }
.LBB2_2:
0x1e: {  	s20 =	sshrl.u32 @!p0 s20, $0x2;
	[sflag:s7] =	ssyncadd.s32 $0xFFFFC000  }
0x1f: {  	s21 =	smov.u32 s15;
	s15 =	smov.u32 s17;
	s17 =	sadd.s32 $0x10000, s17  }
0x20: {  	s22 =	simm.s32 @!p0 $0x80;
	p1 =	sne.s32 s17, $0x100000;
	s20 =	sor.u32 @!p0 $0x800, s20  }
0x21: {  	[tilespmem:s20], [sflag:$0x1] =	stream.indirect.gather @!p0 [hbm4b:s1+s22], $0x80, s19, s22, $0xb8;
	[tilespmem:$0x10800] =	vst v63  }
0x22: {  	s18 =	sadd.s32 $0x1, s18;
	s20 =	sand.u32 $0x30000, s21;
	_ =	swait.ge [sflag:s13], $0x4000  }
.Ltmp0:
0x23: {  	s20 =	sshrl.u32 s20, $0x2;
	[sflag:s13] =	ssyncset.done $0x0;
	(pc) =	sbr.rel @p1 .LBB2_2-.Ltmp0, $4  }
0x24: {  	p0 =	sgt.u32 s18, $0xC;
	s20 =	sor.u32 $0x800, s20;
	[sflag:s13] =	ssyncadd.s32 $0xFFFFC000  }
0x25: {  	[hbm4b:s16+s3] =	stream.linear.scatter [tilespmem:s20], [sflag:$0x2], $0x4000, $0x38;
	[tilespmem:$0x10800] =	vst v63  }
0x26: {  	s20 =	sadd.s32 @!p0 $0x30000, s15;
	s16 =	sadd.s32 $0x800, s16;
	_ =	swait.ge [sflag:s7], $0x4000  }
0x27: {  	s19 =	sadd.s32 $0x80, s19;
	s20 =	sand.u32 @!p0 $0x30000, s20;
	[sflag:s7] =	ssyncset.done $0x0  }
0x28: {  	s17 =	sshrl.u32 @!p0 s20, $0x2  }
0x29: {  	[sflag:s7] =	ssyncadd.s32 $0xFFFFC000;
	s18 =	simm.s32 @!p0 $0x80;
	s17 =	sor.u32 @!p0 $0x800, s17  }
0x2a: {  	[tilespmem:s17], [sflag:$0x1] =	stream.indirect.gather @!p0 [hbm4b:s1+s18], $0x80, s19, s18, $0xb8;
	[tilespmem:$0x10800] =	vst v63  }
0x2b: {  	s15 =	sand.u32 $0x30000, s15;
	s14 =	sadd.s32 $0x1, s14;
	_ =	swait.ge [sflag:s13], $0x4000  }
0x2c: {  	s15 =	sshrl.u32 s15, $0x2;
	p0 =	sne.s32 s14, s5;
	[sflag:s13] =	ssyncset.done $0x0  }
.Ltmp1:
0x2d: {  	s15 =	sor.u32 $0x800, s15;
	[sflag:s13] =	ssyncadd.s32 $0xFFFFC000;
	(pc) =	sbr.rel @p0 .LBB2_1-.Ltmp1, $4  }
0x2e: {  	[hbm4b:s16+s3] =	stream.linear.scatter [tilespmem:s15], [sflag:$0x2], $0x4000, $0x38;
	[tilespmem:$0x10800] =	vst v63  }
0x2f: {  	_ =	swait.ge [sflag:s7], $0x4000  }
0x30: {  	[sflag:s7] =	ssyncset.done $0x0  }
0x31: {  	[sflag:s7] =	ssyncadd.s32 $0xFFFFC000  }
0x32: {  	_ =	sfence.sel $0x180000  }
0x33: {  	[bflag:$0x0] =	sbarrier.arrive $0xFFFF  }
0x34: {  	p0 =	sne.s32 s2, $0x0;
	_ =	strace $0x90000047  }
0x35: {  	s0 =	sadd.s32 @!p0 $0x100000, s0;
	[bflag:$0x2] =	sbarrier.arrive $0xFFFF  }
0x36: {  	[sflag:s0] =	ssyncadd.tile.s32 @!p0 $0x1;
	_ =	shalt  }
.Lfunc_end2:
_tile_overlayer_lowered:
.L_overlay_start_2:
0x37: {  	(tag) =	ssettag $0x2  }
0x38: {  	s0 =	rddreg [dreg:$0x0];
	s2 =	stileid.u32  }
0x39: {  	s1 =	rddreg [dreg:$0x1];
	p0 =	sne.s32 s2, $0x0  }
0x3a: {  	s3 =	rddreg [dreg:$0x2];
	[bflag:$0x3] =	sbarrier.arrive $0xFFFF;
	s2 =	simm.s32 @!p0 $0x1C02  }
0x3b: {  	[timem:s3], [sflag:s2] =	dma.local @!p0 [hbm:s0], s1  }
0x3c: {  	s0 =	simm.s32 @!p0 $0x2  }
0x3d: {  	_ =	swait.ge @!p0 [sflag:s0], s1  }
0x3e: {  	s1 =	ssub.s32 @!p0 $0x0, s1;
	[sflag:s0] =	ssyncset.done @!p0 $0x0  }
0x3f: {  	[sflag:s0] =	ssyncadd.s32 @!p0 s1  }
0x40: {  	[bflag:$0x3] =	sbarrier.arrive $0xFFFF  }
0x41: {  	_ =	shalt  }

</sc_bundles>
